<compile_context>
chip_gen: v7x
topology: tpu7x:2x2x1
jax: 0.10.2.dev20260603
libtpu: 0.0.44.dev20260713+nightly
codegen_flags: <defaults>
</compile_context>

<pallas_src>
import jax
import jax.numpy as jnp
from jax.experimental import pallas as pl
from jax.experimental.pallas import tpu as pltpu

_D = 4096
_NR = 1024
_R_OUT = 64
_KT = 1024
_BM = 256
_NK = _D // _KT
_HB = 4


def _fused_kernel(wids_ref, x_ref, w_ref, out_ref, acc_ref):
    h = pl.program_id(0)
    k = pl.program_id(1)
    i = pl.program_id(2)

    xb = x_ref[...].astype(jnp.bfloat16)
    part = jnp.dot(xb, w_ref[0], preferred_element_type=jnp.float32)

    @pl.when(k == 0)
    def _init():
        acc_ref[i] = part

    @pl.when(k > 0)
    def _accum():
        acc_ref[i] += part

    @pl.when(k == _NK - 1)
    def _finish():
        shift = jnp.where(h == 0, 6, 4)
        rmask = jnp.where(h == 0, 63, 15)
        acc = acc_ref[i]
        wid = wids_ref[0, 0, :]
        lane_e = jax.lax.broadcasted_iota(jnp.int32, (_BM, _NR), 1) >> shift
        masked = jnp.where(wid[:, None] == lane_e, acc, 0.0).astype(jnp.bfloat16)
        gi = jax.lax.broadcasted_iota(jnp.int32, (_NR, _R_OUT), 0)
        gj = jax.lax.broadcasted_iota(jnp.int32, (_NR, _R_OUT), 1)
        fold = ((gi & rmask) == gj).astype(jnp.bfloat16)
        out_ref[...] = jnp.dot(masked, fold, preferred_element_type=jnp.float32)


def kernel(x, wids_large, wids_small, lora_A_large, lora_A_small):
    b_l = wids_large.shape[0]
    b_s = wids_small.shape[0]
    n_l, d, r_l = lora_A_large.shape
    n_s, _, r_s = lora_A_small.shape
    nblk = (b_l + b_s) // _BM

    wids3 = jnp.concatenate([wids_large, wids_small]).reshape(nblk, 1, _BM)
    wl = lora_A_large.transpose(1, 0, 2).reshape(d, n_l * r_l).astype(jnp.bfloat16)
    ws = lora_A_small.transpose(1, 0, 2).reshape(d, n_s * r_s).astype(jnp.bfloat16)
    w = jnp.stack([wl, ws])

    out = pl.pallas_call(
        _fused_kernel,
        grid=(2, _NK, _HB),
        in_specs=[
            pl.BlockSpec((1, 1, _BM), lambda h, k, i: (h * _HB + i, 0, 0)),
            pl.BlockSpec((_BM, _KT), lambda h, k, i: (h * _HB + i, k)),
            pl.BlockSpec((1, _KT, _NR), lambda h, k, i: (h, k, 0)),
        ],
        out_specs=pl.BlockSpec((_BM, _R_OUT), lambda h, k, i: (h * _HB + i, 0)),
        out_shape=jax.ShapeDtypeStruct((b_l + b_s, _R_OUT), jnp.float32),
        scratch_shapes=[
            pltpu.VMEM((_HB, _BM, _NR), jnp.float32),
        ],
    )(wids3, x.reshape(b_l + b_s, d), w)

    yl = out[:b_l, :r_l]
    ys = out[b_l:, :r_s]
    return (yl[:, None, :], ys[:, None, :])

# --- scband reference (transcript-rebuilt; emitter-appended) ---
"""Pipeline reference for scband-sequential-lora-a-59459527246470 (READ-ONLY COPY).

The authoritative reference and input builder live on the scoring server;
editing this copy changes nothing except your own understanding.
"""

import jax, jax.numpy as jnp
import numpy as np

B_LARGE = 1024
B_SMALL = 1024
D_MODEL = 4096
R_LARGE = 64
R_SMALL = 16
N_ADAPT_LARGE = 16
N_ADAPT_SMALL = 64


def setup_inputs(seed: int = 0) -> dict:
    key = jax.random.key(seed)
    k1, k2, k3, k4, k5 = jax.random.split(key, 5)
    x = jax.random.normal(k1, (B_LARGE + B_SMALL, 1, D_MODEL), dtype=jnp.float32)
    wids_large = jax.random.randint(k2, (B_LARGE,), 0, N_ADAPT_LARGE, dtype=jnp.int32)
    wids_small = jax.random.randint(k3, (B_SMALL,), 0, N_ADAPT_SMALL, dtype=jnp.int32)
    lora_A_large = jax.random.normal(k4, (N_ADAPT_LARGE, D_MODEL, R_LARGE), dtype=jnp.float32) * 0.02
    lora_A_small = jax.random.normal(k5, (N_ADAPT_SMALL, D_MODEL, R_SMALL), dtype=jnp.float32) * 0.02
    return {
        "x": x,
        "wids_large": wids_large,
        "wids_small": wids_small,
        "lora_A_large": lora_A_large,
        "lora_A_small": lora_A_small,
    }


def reference(x, wids_large, wids_small, lora_A_large, lora_A_small):
    # split along batch dim at split_indices = [batch_size_large]
    x_large = x[:B_LARGE]           # [B_large, 1, d_model]
    x_small = x[B_LARGE:]           # [B_small, 1, d_model]
    # gather per-token adapter A matrices, then batched matmul
    A_large = jnp.take(lora_A_large, wids_large, axis=0)  # [B_large, d_model, r_large]
    A_small = jnp.take(lora_A_small, wids_small, axis=0)  # [B_small, d_model, r_small]
    y_large = jnp.matmul(x_large, A_large)  # [B_large, 1, r_large]
    y_small = jnp.matmul(x_small, A_small)  # [B_small, 1, r_small]
    return (y_large, y_small)

if __name__ == "__main__":
    import jax
    _d = setup_inputs()
    print(jax.jit(kernel)(*tuple(_d.values())))

</pallas_src>

<mosaic_0001>
module attributes {stable_mosaic.version = 14 : i64} {
  func.func @_fused_kernel(%arg0: i32, %arg1: i32, %arg2: i32, %arg3: memref<1x1x256xi32, #tpu.memory_space<vmem>>, %arg4: memref<256x1024xf32, #tpu.memory_space<vmem>>, %arg5: memref<1x1024x1024xbf16, #tpu.memory_space<vmem>>, %arg6: memref<256x64xf32, #tpu.memory_space<vmem>>, %arg7: memref<4x256x1024xf32, #tpu.memory_space<vmem>>) attributes {dimension_semantics = [#tpu.dimension_semantics<arbitrary>, #tpu.dimension_semantics<arbitrary>, #tpu.dimension_semantics<arbitrary>], iteration_bounds = array<i64: 2, 4, 4>, scalar_prefetch = 0 : i64, scratch_operands = 1 : i64, tpu.core_type = #tpu.core_type<tc>, window_params = [{transform_indices = @transform_0, window_bounds = array<i64: 1, 1, 256>}, {transform_indices = @transform_1, window_bounds = array<i64: 256, 1024>}, {transform_indices = @transform_2, window_bounds = array<i64: 1, 1024, 1024>}, {transform_indices = @transform_3, window_bounds = array<i64: 256, 64>}]} {
    %get3A = arith.constant 0 : index
    %get3A_0 = arith.constant 0 : index
    %get3A_1 = vector.load %arg4[%get3A, %get3A_0] : memref<256x1024xf32, #tpu.memory_space<vmem>>, vector<256x1024xf32>
    %convert_element_type3A = arith.truncf %get3A_1 : vector<256x1024xf32> to vector<256x1024xbf16>
    %get3A_2 = arith.constant 0 : index
    %get3A_3 = arith.constant 0 : index
    %get3A_4 = arith.constant 0 : index
    %get3A_5 = vector.load %arg5[%get3A_2, %get3A_3, %get3A_4] : memref<1x1024x1024xbf16, #tpu.memory_space<vmem>>, vector<1x1024x1024xbf16>
    %get3A_6 = vector.shape_cast %get3A_5 : vector<1x1024x1024xbf16> to vector<1024x1024xbf16>
    %dot_general3A = arith.constant dense<0.000000e+00> : vector<256x1024xf32>
    %dot_general3A_7 = tpu.matmul %convert_element_type3A, %get3A_6, %dot_general3A {dimension_numbers = #tpu.dot_dimension_numbers<[1], [0], [0], [1], [0, 0, 1, 1], [], []>, transpose_lhs_hint = false} : vector<256x1024xbf16>, vector<1024x1024xbf16>, vector<256x1024xf32> -> vector<256x1024xf32>
    %eq3A = arith.constant 0 : i32
    %eq3A_8 = arith.cmpi eq, %arg1, %eq3A : i32
    %convert_element_type3A_9 = arith.extui %eq3A_8 : i1 to i32
    %cond3A = arith.constant 0 : i32
    %cond3A_10 = arith.cmpi ne, %convert_element_type3A_9, %cond3A : i32
    scf.if %cond3A_10 {
      %swap3A = arith.index_cast %arg2 : i32 to index
      %swap3A_20 = arith.constant 0 : index
      %swap3A_21 = arith.constant 0 : index
      %swap3A_22 = vector.load %arg7[%swap3A, %swap3A_20, %swap3A_21] : memref<4x256x1024xf32, #tpu.memory_space<vmem>>, vector<1x256x1024xf32>
      %swap3A_23 = vector.shape_cast %swap3A_22 : vector<1x256x1024xf32> to vector<256x1024xf32>
      %swap3A_24 = vector.shape_cast %dot_general3A_7 : vector<256x1024xf32> to vector<1x256x1024xf32>
      tpu.vector_store %arg7[%swap3A, %swap3A_20, %swap3A_21], %swap3A_24 {strides = array<i32>} : memref<4x256x1024xf32, #tpu.memory_space<vmem>>, vector<1x256x1024xf32>,
    } else {
    }
    %gt3A = arith.constant 0 : i32
    %gt3A_11 = arith.cmpi sgt, %arg1, %gt3A : i32
    %convert_element_type3A_12 = arith.extui %gt3A_11 : i1 to i32
    %cond3A_13 = arith.constant 0 : i32
    %cond3A_14 = arith.cmpi ne, %convert_element_type3A_12, %cond3A_13 : i32
    scf.if %cond3A_14 {
      %get3A_20 = arith.index_cast %arg2 : i32 to index
      %get3A_21 = arith.constant 0 : index
      %get3A_22 = arith.constant 0 : index
      %get3A_23 = vector.load %arg7[%get3A_20, %get3A_21, %get3A_22] : memref<4x256x1024xf32, #tpu.memory_space<vmem>>, vector<1x256x1024xf32>
      %get3A_24 = vector.shape_cast %get3A_23 : vector<1x256x1024xf32> to vector<256x1024xf32>
      %add3A = arith.addf %get3A_24, %dot_general3A_7 : vector<256x1024xf32>
      %swap3A = arith.index_cast %arg2 : i32 to index
      %swap3A_25 = arith.constant 0 : index
      %swap3A_26 = arith.constant 0 : index
      %swap3A_27 = vector.load %arg7[%swap3A, %swap3A_25, %swap3A_26] : memref<4x256x1024xf32, #tpu.memory_space<vmem>>, vector<1x256x1024xf32>
      %swap3A_28 = vector.shape_cast %swap3A_27 : vector<1x256x1024xf32> to vector<256x1024xf32>
      %swap3A_29 = vector.shape_cast %add3A : vector<256x1024xf32> to vector<1x256x1024xf32>
      tpu.vector_store %arg7[%swap3A, %swap3A_25, %swap3A_26], %swap3A_29 {strides = array<i32>} : memref<4x256x1024xf32, #tpu.memory_space<vmem>>, vector<1x256x1024xf32>,
    } else {
    }
    %eq3A_15 = arith.constant 3 : i32
    %eq3A_16 = arith.cmpi eq, %arg1, %eq3A_15 : i32
    %convert_element_type3A_17 = arith.extui %eq3A_16 : i1 to i32
    %cond3A_18 = arith.constant 0 : i32
    %cond3A_19 = arith.cmpi ne, %convert_element_type3A_17, %cond3A_18 : i32
    scf.if %cond3A_19 {
      %eq3A_20 = arith.constant 0 : i32
      %eq3A_21 = arith.cmpi eq, %arg0, %eq3A_20 : i32
      %jit3A = arith.constant 6 : i32
      %jit3A_22 = arith.constant 4 : i32
      %select_n3A = arith.select %eq3A_21, %jit3A, %jit3A_22 : i32
      %eq3A_23 = arith.constant 0 : i32
      %eq3A_24 = arith.cmpi eq, %arg0, %eq3A_23 : i32
      %jit3A_25 = arith.constant 63 : i32
      %jit3A_26 = arith.constant 15 : i32
      %select_n3A_27 = arith.select %eq3A_24, %jit3A_25, %jit3A_26 : i32
      %get3A_28 = arith.index_cast %arg2 : i32 to index
      %get3A_29 = arith.constant 0 : index
      %get3A_30 = arith.constant 0 : index
      %get3A_31 = vector.load %arg7[%get3A_28, %get3A_29, %get3A_30] : memref<4x256x1024xf32, #tpu.memory_space<vmem>>, vector<1x256x1024xf32>
      %get3A_32 = vector.shape_cast %get3A_31 : vector<1x256x1024xf32> to vector<256x1024xf32>
      %get3A_33 = arith.constant 0 : index
      %get3A_34 = arith.constant 0 : index
      %get3A_35 = arith.constant 0 : index
      %get3A_36 = vector.load %arg3[%get3A_33, %get3A_34, %get3A_35] : memref<1x1x256xi32, #tpu.memory_space<vmem>>, vector<1x1x256xi32>
      %get3A_37 = vector.shape_cast %get3A_36 : vector<1x1x256xi32> to vector<256xi32>
      %iota3A = tpu.iota {dimensions = array<i32: 1>} : vector<256x1024xi32>
      %shift_right_arithmetic3A = vector.broadcast %select_n3A : i32 to vector<256x1024xi32>
      %shift_right_arithmetic3A_38 = arith.shrsi %iota3A, %shift_right_arithmetic3A : vector<256x1024xi32>
      %broadcast_in_dim3A = vector.shape_cast %get3A_37 : vector<256xi32> to vector<256x1xi32>
      %eq3A_39 = vector.broadcast %broadcast_in_dim3A : vector<256x1xi32> to vector<256x1024xi32>
      %eq3A_40 = arith.cmpi eq, %eq3A_39, %shift_right_arithmetic3A_38 : vector<256x1024xi32>
      %jit3A_41 = arith.constant 0.000000e+00 : f32
      %broadcast_in_dim3A_42 = vector.broadcast %jit3A_41 : f32 to vector<256x1024xf32>
      %select_n3A_43 = arith.select %eq3A_40, %get3A_32, %broadcast_in_dim3A_42 : vector<256x1024xi1>, vector<256x1024xf32>
      %convert_element_type3A_44 = arith.truncf %select_n3A_43 : vector<256x1024xf32> to vector<256x1024xbf16>
      %iota3A_45 = tpu.iota {dimensions = array<i32: 0>} : vector<1024x64xi32>
      %iota3A_46 = tpu.iota {dimensions = array<i32: 1>} : vector<1024x64xi32>
      %and3A = vector.broadcast %select_n3A_27 : i32 to vector<1024x64xi32>
      %and3A_47 = arith.andi %iota3A_45, %and3A : vector<1024x64xi32>
      %eq3A_48 = arith.cmpi eq, %and3A_47, %iota3A_46 : vector<1024x64xi32>
      %convert_element_type3A_49 = arith.extui %eq3A_48 : vector<1024x64xi1> to vector<1024x64xi32>
      %convert_element_type3A_50 = arith.sitofp %convert_element_type3A_49 : vector<1024x64xi32> to vector<1024x64xf32>
      %convert_element_type3A_51 = arith.truncf %convert_element_type3A_50 : vector<1024x64xf32> to vector<1024x64xbf16>
      %dot_general3A_52 = arith.constant dense<0.000000e+00> : vector<256x64xf32>
      %dot_general3A_53 = tpu.matmul %convert_element_type3A_44, %convert_element_type3A_51, %dot_general3A_52 {dimension_numbers = #tpu.dot_dimension_numbers<[1], [0], [0], [1], [0, 0, 1, 1], [], []>, transpose_lhs_hint = false} : vector<256x1024xbf16>, vector<1024x64xbf16>, vector<256x64xf32> -> vector<256x64xf32>
      %swap3A = arith.constant 0 : index
      %swap3A_54 = arith.constant 0 : index
      %swap3A_55 = vector.load %arg6[%swap3A, %swap3A_54] : memref<256x64xf32, #tpu.memory_space<vmem>>, vector<256x64xf32>
      tpu.vector_store %arg6[%swap3A, %swap3A_54], %dot_general3A_53 {strides = array<i32>} : memref<256x64xf32, #tpu.memory_space<vmem>>, vector<256x64xf32>,
    } else {
    }
    return
  }
  func.func @transform_0(%arg0: i32, %arg1: i32, %arg2: i32) -> (i32, i32, i32) {
    %mul3A = arith.constant 4 : i32
    %mul3A_0 = arith.muli %arg0, %mul3A : i32
    %add3A = arith.addi %mul3A_0, %arg2 : i32
    %c0_i32 = arith.constant 0 : i32
    %c0_i32_1 = arith.constant 0 : i32
    %c0_i32_2 = arith.constant 0 : i32
    return %add3A, %c0_i32, %c0_i32_1 : i32, i32, i32
  }
  func.func @transform_1(%arg0: i32, %arg1: i32, %arg2: i32) -> (i32, i32) {
    %mul3A = arith.constant 4 : i32
    %mul3A_0 = arith.muli %arg0, %mul3A : i32
    %add3A = arith.addi %mul3A_0, %arg2 : i32
    %c0_i32 = arith.constant 0 : i32
    return %add3A, %arg1 : i32, i32
  }
  func.func @transform_2(%arg0: i32, %arg1: i32, %arg2: i32) -> (i32, i32, i32) {
    %c0_i32 = arith.constant 0 : i32
    %c0_i32_0 = arith.constant 0 : i32
    return %arg0, %arg1, %c0_i32 : i32, i32, i32
  }
  func.func @transform_3(%arg0: i32, %arg1: i32, %arg2: i32) -> (i32, i32) {
    %mul3A = arith.constant 4 : i32
    %mul3A_0 = arith.muli %arg0, %mul3A : i32
    %add3A = arith.addi %mul3A_0, %arg2 : i32
    %c0_i32 = arith.constant 0 : i32
    %c0_i32_1 = arith.constant 0 : i32
    return %add3A, %c0_i32 : i32, i32
  }
}

</mosaic_0001>

<sc_bundles>
// kernel: sparse-core-data-format-call.cloned.1.call-start
scs
called_computation_lowered:
.L_overlay_start_0:
0x0: {  	s2 =	sld [smem:$0x3FD9]  }
0x1: {  	s3 =	sld [smem:$0x3FFE];
	_ =	sdelay $0x1  }
0x2: {  	s1 =	srdreg.scid  }
0x3: {  	s0 =	sand.u32 $0x1, s1  }
0x4: {  	s18 =	sshll.u32 s0, $0xA;
	s2 =	sadd.s32 s3, s2  }
0x5: {  	s2 =	sadd.s32 s2, s18  }
0x6: {  	[smem:$0x3FC3] =	sst s2  }
0x7: {  	_ = 	snop  }
0x8: {  	s2 =	sld [smem:$0x3FC9];
	(tm) =	ssettm $0x1  }
0x9: {  	s19 =	sld [smem:$0x3FFB];
	_ =	sdelay $0x3  }
0xa: {  	_ =	strace s19  }
0xb: {  	s3 =	sld [smem:$0x3FFC];
	_ =	sdelay $0x3  }
0xc: {  	_ =	strace s3  }
0xd: {  	s3 =	sld [smem:$0x3FFD];
	_ =	sdelay $0x3  }
0xe: {  	_ =	strace s3  }
0xf: {  	_ =	strace $0x8FFFFFFF  }
0x10: {  	s20 =	sld [smem:$0x3FDB];
	_ =	sdelay $0x1  }
0x11: {  	s4 =	simm.s32 $_scs_section_size  }
0x12: {  	s5 =	simm.s32 $_size__tile_overlayer_lowered;
	s6 =	simm.s32 $_tile_overlayer_lowered  }
0x13: {  	s23 =	simm.s32 $0x1BFF;
	s22 =	sshll.u32 s6, $0x1;
	s3 =	sadd.s32 s4, s20  }
0x14: {  	s7 =	simm.s32 $0x0;
	s21 =	sshll.u32 s5, $0x1;
	s5 =	sadd.s32 s22, s3  }
0x15: {  	[timem:s7], [sflag:s23] =	dma.local [hbm:s5], s21  }
0x16: {  	_ =	swait.ge [sflag:s23], s21  }
0x17: {  	s4 =	ssub.s32 $0x0, s21;
	[sflag:s23] =	ssyncset.done $0x0  }
0x18: {  	[sflag:s23] =	ssyncadd.s32 s4;
	_ =	sdelay $0x1  }
0x19: {  	s24 =	simm.s32 $0x1B8B  }
0x1a: {  	_ =	swait.ge [sflag:s24], $0x1  }
0x1b: {  	[sflag:s24] =	ssyncset.done $0x0  }
0x1c: {  	s26 =	simm.s32 $0x1B8E;
	s25 =	sld [smem:$0x3FFE];
	[sflag:s24] =	ssyncadd.s32 $0xFFFFFFFF  }
0x1d: {  	s27 =	simm.s32 $execute0_lowered;
	[smem:$0x3FD2] =	sst s26  }
0x1e: {  	s5 =	sshll.u32 s27, $0x1;
	_ =	strace $0x80000046;
	[dreg:$0x1] =	wrdreg $0xFFFFFFFF  }
0x1f: {  	s28 =	simm.s32 $_size_execute0_lowered;
	s3 =	sadd.s32 s3, s5;
	[dreg:$0x0] =	wrdreg $0x0  }
0x20: {  	s5 =	sshll.u32 s28, $0x1;
	[dreg:$0x2] =	wrdreg s3  }
0x21: {  	[dreg:$0x3] =	wrdreg s5  }
0x22: {  	[dreg:$0x4] =	wrdreg $0xC0  }
0x23: {  	_ =	task [dreg:s7], $0x5FFFF  }
0x24: {  	[dreg:$0x1] =	wrdreg $0xFFFFFFFF  }
0x25: {  	[dreg:$0x0] =	wrdreg $0x60  }
0x26: {  	[dreg:$0x2] =	wrdreg s2  }
0x27: {  	[dreg:$0x3] =	wrdreg s25  }
0x28: {  	[dreg:$0x4] =	wrdreg $0x9  }
0x29: {  	_ =	task.clear_ibuf [dreg:s7], $0x5FFFF;
	_ =	strace $0x90000046  }
0x2a: {  	s29 =	simm.s32 $0x9;
	_ =	strace $0x80000048  }
0x2b: {  	_ =	swait.ge [sflag:s29], $0x1  }
0x2c: {  	[sflag:s29] =	ssyncadd.s32 $0xFFFFFFFF  }
0x2d: {  	_ =	strace $0x90000048  }
0x2e: {  	_ =	sfence  }
0x2f: {  	s30 =	sld [smem:$0x0];
	_ =	sdelay $0x2  }
0x30: {  	s31 =	sshll.u32 s1, $0xD;
	s1 =	sshrl.u32 s1, $0x2  }
0x31: {  	s3 =	sand.u32 $0x4000, s31;
	s1 =	sadd.s32 s1, s30  }
0x32: {  	s0 =	sor.u32 s3, s0;
	s1 =	sshll.u32 s1, $0x11  }
0x33: {  	s0 =	sor.u32 s1, s0  }
0x34: {  	s0 =	sadd.s32 $0x8F2B, s0  }
0x35: {  	[sflag:s0] =	ssyncadd.remote.s32 $0x1  }
0x36: {  	_ =	sfence.sel $0xFFFF  }
0x37: {  	[dreg:$0x0] =	wrdreg $0xFFFFFFFF;
	(pc) =	sbr.abs _section_cstart, $3  }
0x38: {  	[dreg:$0x1] =	wrdreg $0xFFFFFFFF  }
0x39: {  	_ =	task.clear_ibuf [dreg:s7], $0x2FFFF;
	_ =	strace $0x9FFFFFFF  }
0x3a: {  	(tm) =	ssettm $0x7FFFFFFF  }
0x3b: {  	_ =	shalt  }
tec
execute0_lowered:
.L_overlay_start_1:
0x0: {  	(tag) =	ssettag $0x1  }
0x1: {  	s0 =	srdreg.scid;
	s2 =	rddreg [dreg:$0x0]  }
0x2: {  	s5 =	rddreg [dreg:$0x1];
	s1 =	sshll.u32 s0, $0x4  }
0x3: {  	s7 =	simm.s32 $0x1;
	s0 =	stileid.u32;
	s1 =	sand.u32 $0x10, s1  }
0x4: {  	s8 =	simm.s32 $0x2;
	s12 =	simm.s32 $0x0;
	s1 =	sor.u32 s0, s1  }
0x5: {  	s13 =	simm.s32 $0x0;
	s9 =	simm.s32 $0x0;
	s3 =	sshll.u32 s1, $0x3  }
0x6: {  	s11 =	simm.s32 $0x0;
	s5 =	sadd.s32 $0x800, s5;
	s6 =	ssub.s32 $0x800, s3  }
.Ltmp0:
0x7: {  	s1 =	rddreg [dreg:$0x2];
	s4 =	sand.u32 $0xF8, s6;
	(pc) =	sbr.rel .LBB1_1-.Ltmp0, $4  }
0x8: {  	_ =	strace $0x80000047;
	p0 =	sne.s32 s4, $0x0;
	s4 =	simm.s32 $0x1  }
0x9: {  	s6 =	sshrl.u32 s6, $0x8;
	s7 =	simm.s32 @!p0 $0x0;
	[sflag:s4] =	ssyncpa.u1 $0x0  }
0xa: {  	s10 =	smov.u32 s3;
	s7 =	sadd.s32 s7, s6;
	[sflag:s8] =	ssyncpa.u1 $0x0  }
0xb: {  	s8 =	simm.s32 $0x0;
	s6 =	sshll.u32 s7, $0x1;
	s7 =	sshllo.u32 s7, $0x1  }
.LBB1_7:
0xc: {  	s14 =	sadd.s32 $0x800, s9  }
0xd: {  	s12 =	sadd.s32 $0x100, s10;
	s16 =	smov.u32 s10;
	p1 =	sgt.s32 s14, $0xFFF  }
0xe: {  	s16 =	smov.u32 @p1 s12  }
0xf: {  	s14 =	simm.s32 @p1 $0x0;
	p1 =	sgt.s32 s16, $0x7FF  }
0x10: {  	s16 =	smov.u32 @p1 s3;
	p1 =	sne.s32 s11, s7  }
.Ltmp1:
0x11: {  	p0 =	slt.u32 s11, $0x2;
	(pc) =	sbr.rel @!p1 .LBB1_8-.Ltmp1, $4  }
0x12: {  	s15 =	simm.s32 @!p0 $0x2  }
0x13: {  	s13 =	smov.u32 s10;
	s8 =	sadd.s32 $0x4000, s8;
	_ =	swait.ge @!p0 [sflag:s15], $0x4000  }
0x14: {  	s12 =	smov.u32 s9;
	[sflag:s15] =	ssyncset.done @!p0 $0x0;
	s9 =	smov.u32 s14  }
0x15: {  	s11 =	sadd.s32 $0x1, s11;
	[sflag:s15] =	ssyncadd.s32 @!p0 $0xFFFFC000;
	s10 =	smov.u32 s16  }
.LBB1_1:
0x16: {  	p0 =	sge.u32 s11, s6;
	s31 =	sadd.s32 $0xFFFFFFFF, s11  }
0x17: {  	s14 =	sxor.u32 @!p0 $0xFFFFFFFF, s11;
	s15 =	sshll.u32 @!p0 s10, $0x9;
	s16 =	sshrl.u32 @!p0 s9, $0x3  }
0x18: {  	s17 =	sand.u32 @!p0 $0x7, s9;
	s14 =	sshll.u32 @!p0 s14, $0xE;
	s16 =	sand.u32 @!p0 $0x1FF, s16  }
0x19: {  	s15 =	sadd.s32 @!p0 s2, s15;
	s17 =	sshll.u32 @!p0 s17, $0x12;
	s14 =	sand.u32 @!p0 $0x4000, s14  }
0x1a: {  	s15 =	sadd.s32 @!p0 s16, s15;
	s16 =	sor.u32 @!p0 $0x800, s17;
	s17 =	simm.s32 @!p0 $0x1000  }
0x1b: {  	[tilespmem:s14], [sflag:$0x1] =	stream.strided.gather @!p0 [hbm4b:s15+s16], $0x4000, s17, s16, $0x38;
	[tilespmem:$0x10000] =	vst v63  }
0x1c: {  	p0 =	sge.u32 s31, s6  }
.Ltmp2:
0x1d: {  	_ = 	snop;
	(pc) =	sbr.rel @p0 .LBB1_7-.Ltmp2, $1  }
0x1e: {  	_ =	sdelay $0x3  }
0x1f: {  	s14 =	sand.u32 $0x4000, s8  }
0x20: {  	_ =	swait.ge [sflag:s4], $0x4000;
	s17 =	sshll.u32 s11, $0xE;
	s15 =	sor.u32 $0x100, s14  }
0x21: {  	s16 =	sor.u32 $0x8800, s14;
	[sflag:s4] =	ssyncset.done $0x0;
	s31 =	sand.u32 $0x4000, s17  }
0x22: {  	s17 =	simm.s32 $0x0;
	[sflag:s4] =	ssyncadd.s32 $0xFFFFC000;
	s14 =	sor.u32 $0x8000, s31  }
.LBB1_3:
0x23: {  	v0 =	vld [tilespmem:s15+$0xF0]  }
0x24: {  	v1 =	vld [tilespmem:s15+$0xFFFFFF10]  }
0x25: {  	v2 =	vld [tilespmem:s15+$0xFFFFFF20]  }
0x26: {  	v3 =	vld [tilespmem:s15+$0xFFFFFF30]  }
0x27: {  	v4 =	vld [tilespmem:s15+$0xFFFFFF40]  }
0x28: {  	v5 =	vld [tilespmem:s15+$0xFFFFFF50];
	[tilespmem:s16+$0x470] =	vst v0  }
0x29: {  	[tilespmem:s16+$0xFFFFF810] =	vst v1;
	v0 =	vld [tilespmem:s15+$0xFFFFFF60]  }
0x2a: {  	[tilespmem:s16+$0xFFFFF820] =	vst v2;
	v1 =	vld [tilespmem:s15+$0xFFFFFF70]  }
0x2b: {  	[tilespmem:s16+$0xFFFFF830] =	vst v3;
	v2 =	vld [tilespmem:s15+$0xFFFFFF80]  }
0x2c: {  	[tilespmem:s16+$0xFFFFF840] =	vst v4;
	v3 =	vld [tilespmem:s15+$0xFFFFFF90]  }
0x2d: {  	[tilespmem:s16+$0xFFFFF850] =	vst v5;
	v4 =	vld [tilespmem:s15+$0xFFFFFFA0]  }
0x2e: {  	v5 =	vld [tilespmem:s15+$0xA0];
	[tilespmem:s16+$0xFFFFF860] =	vst v0  }
0x2f: {  	v0 =	vld [tilespmem:s15+$0xFFFFFFB0];
	[tilespmem:s16+$0xFFFFF870] =	vst v1  }
0x30: {  	v1 =	vld [tilespmem:s15+$0xFFFFFFC0];
	[tilespmem:s16+$0xFFFFFC00] =	vst v2  }
0x31: {  	[tilespmem:s16+$0xFFFFFC10] =	vst v3;
	v3 =	vld [tilespmem:s15+$0xFFFFFFE0]  }
0x32: {  	[tilespmem:s16+$0xFFFFFC20] =	vst v4;
	v4 =	vld [tilespmem:s15+$0xFFFFFFF0]  }
0x33: {  	v2 =	vld [tilespmem:s15+$0xFFFFFFD0];
	[tilespmem:s16+$0x420] =	vst v5  }
0x34: {  	[tilespmem:s16+$0xFFFFFC30] =	vst v0;
	v0 =	vld [tilespmem:s15+$0x0]  }
0x35: {  	[tilespmem:s16+$0xFFFFFC40] =	vst v1;
	v1 =	vld [tilespmem:s15+$0x10]  }
0x36: {  	[tilespmem:s16+$0xFFFFFC60] =	vst v3;
	v3 =	vld [tilespmem:s15+$0x30]  }
0x37: {  	[tilespmem:s16+$0xFFFFFC70] =	vst v4;
	v4 =	vld [tilespmem:s15+$0x40]  }
0x38: {  	[tilespmem:s16+$0xFFFFFC50] =	vst v2;
	v2 =	vld [tilespmem:s15+$0x20]  }
0x39: {  	[tilespmem:s16+$0x0] =	vst v0;
	v0 =	vld [tilespmem:s15+$0x50]  }
0x3a: {  	[tilespmem:s16+$0x10] =	vst v1;
	v1 =	vld [tilespmem:s15+$0x60]  }
0x3b: {  	[tilespmem:s16+$0x30] =	vst v3;
	v3 =	vld [tilespmem:s15+$0x80]  }
0x3c: {  	[tilespmem:s16+$0x40] =	vst v4;
	v4 =	vld [tilespmem:s15+$0x90]  }
0x3d: {  	[tilespmem:s16+$0x20] =	vst v2;
	v2 =	vld [tilespmem:s15+$0x70]  }
0x3e: {  	[tilespmem:s16+$0x50] =	vst v0;
	v0 =	vld [tilespmem:s15+$0xB0]  }
0x3f: {  	[tilespmem:s16+$0x60] =	vst v1;
	v1 =	vld [tilespmem:s15+$0xC0]  }
0x40: {  	[tilespmem:s16+$0x400] =	vst v3;
	v3 =	vld [tilespmem:s15+$0xD0]  }
0x41: {  	[tilespmem:s16+$0x410] =	vst v4;
	v4 =	vld [tilespmem:s15+$0xE0]  }
0x42: {  	s19 =	simm.s32 $0x0;
	s20 =	sadd.s32 $0x200, s15;
	s18 =	smov.u32 s16;
	[tilespmem:s16+$0x70] =	vst v2;
	v2 =	vld [tilespmem:s15+$0xFFFFFF00]  }
.LBB1_4:
0x43: {  	v5 =	vld [tilespmem:s20+$0xF0];
	s19 =	sadd.s32 $0x200, s19;
	[tilespmem:s18+$0x430] =	vst v0  }
0x44: {  	v0 =	vld [tilespmem:s20+$0xFFFFFF10];
	p0 =	slt.u32 s19, $0x600;
	[tilespmem:s18+$0x440] =	vst v1  }
0x45: {  	v1 =	vld [tilespmem:s20+$0xFFFFFF20];
	[tilespmem:s18+$0x450] =	vst v3  }
0x46: {  	v3 =	vld [tilespmem:s20+$0xFFFFFF30];
	[tilespmem:s18+$0x460] =	vst v4  }
0x47: {  	v4 =	vld [tilespmem:s20+$0xFFFFFF40];
	[tilespmem:s18+$0xFFFFF800] =	vst v2;
	s18 =	sadd.s32 $0x1000, s18  }
0x48: {  	v2 =	vld [tilespmem:s20+$0xFFFFFF50];
	[tilespmem:s18+$0x470] =	vst v5  }
0x49: {  	[tilespmem:s18+$0xFFFFF810] =	vst v0;
	v0 =	vld [tilespmem:s20+$0xFFFFFF60]  }
0x4a: {  	[tilespmem:s18+$0xFFFFF820] =	vst v1;
	v1 =	vld [tilespmem:s20+$0xFFFFFF70]  }
0x4b: {  	[tilespmem:s18+$0xFFFFF830] =	vst v3;
	v3 =	vld [tilespmem:s20+$0xFFFFFF80]  }
0x4c: {  	[tilespmem:s18+$0xFFFFF840] =	vst v4;
	v4 =	vld [tilespmem:s20+$0xFFFFFF90]  }
0x4d: {  	[tilespmem:s18+$0xFFFFF850] =	vst v2;
	v2 =	vld [tilespmem:s20+$0xFFFFFFA0]  }
0x4e: {  	[tilespmem:s18+$0xFFFFF860] =	vst v0;
	v0 =	vld [tilespmem:s20+$0xFFFFFFB0]  }
0x4f: {  	[tilespmem:s18+$0xFFFFF870] =	vst v1;
	v1 =	vld [tilespmem:s20+$0xFFFFFFC0]  }
0x50: {  	[tilespmem:s18+$0xFFFFFC00] =	vst v3;
	v3 =	vld [tilespmem:s20+$0xFFFFFFD0]  }
0x51: {  	[tilespmem:s18+$0xFFFFFC10] =	vst v4;
	v4 =	vld [tilespmem:s20+$0xFFFFFFE0]  }
0x52: {  	[tilespmem:s18+$0xFFFFFC20] =	vst v2;
	v2 =	vld [tilespmem:s20+$0xFFFFFFF0]  }
0x53: {  	[tilespmem:s18+$0xFFFFFC30] =	vst v0;
	v0 =	vld [tilespmem:s20+$0x0]  }
0x54: {  	[tilespmem:s18+$0xFFFFFC40] =	vst v1;
	v1 =	vld [tilespmem:s20+$0x10]  }
0x55: {  	[tilespmem:s18+$0xFFFFFC50] =	vst v3;
	v3 =	vld [tilespmem:s20+$0x20]  }
0x56: {  	[tilespmem:s18+$0xFFFFFC60] =	vst v4;
	v4 =	vld [tilespmem:s20+$0x30]  }
0x57: {  	[tilespmem:s18+$0xFFFFFC70] =	vst v2;
	v2 =	vld [tilespmem:s20+$0x40]  }
0x58: {  	[tilespmem:s18+$0x0] =	vst v0;
	v0 =	vld [tilespmem:s20+$0x50]  }
0x59: {  	[tilespmem:s18+$0x10] =	vst v1;
	v1 =	vld [tilespmem:s20+$0x60]  }
0x5a: {  	[tilespmem:s18+$0x20] =	vst v3;
	v3 =	vld [tilespmem:s20+$0x70]  }
0x5b: {  	[tilespmem:s18+$0x30] =	vst v4;
	v4 =	vld [tilespmem:s20+$0x80]  }
0x5c: {  	[tilespmem:s18+$0x40] =	vst v2;
	v2 =	vld [tilespmem:s20+$0x90]  }
0x5d: {  	[tilespmem:s18+$0x50] =	vst v0;
	v5 =	vld [tilespmem:s20+$0xA0]  }
.Ltmp3:
0x5e: {  	[tilespmem:s18+$0x60] =	vst v1;
	v0 =	vld [tilespmem:s20+$0xB0];
	(pc) =	sbr.rel @p0 .LBB1_4-.Ltmp3, $4  }
0x5f: {  	[tilespmem:s18+$0x70] =	vst v3;
	v1 =	vld [tilespmem:s20+$0xC0]  }
0x60: {  	[tilespmem:s18+$0x400] =	vst v4;
	v3 =	vld [tilespmem:s20+$0xD0]  }
0x61: {  	[tilespmem:s18+$0x410] =	vst v2;
	v4 =	vld [tilespmem:s20+$0xE0]  }
0x62: {  	v2 =	vld [tilespmem:s20+$0xFFFFFF00];
	[tilespmem:s18+$0x420] =	vst v5;
	s20 =	sadd.s32 $0x200, s20  }
0x63: {  	s17 =	sadd.s32 $0x1, s17  }
0x64: {  	p0 =	sne.s32 s17, $0x8  }
.Ltmp4:
0x65: {  	[tilespmem:s18+$0x430] =	vst v0;
	(pc) =	sbr.rel @p0 .LBB1_3-.Ltmp4, $4  }
0x66: {  	[tilespmem:s18+$0x440] =	vst v1  }
0x67: {  	[tilespmem:s18+$0x450] =	vst v3  }
0x68: {  	[tilespmem:s18+$0x460] =	vst v4  }
0x69: {  	s15 =	sadd.s32 $0x800, s15;
	s16 =	sadd.s32 $0x80, s16;
	[tilespmem:s18+$0xFFFFF800] =	vst v2  }
0x6a: {  	s15 =	sand.u32 $0x78, s12;
	s16 =	sshll.u32 s13, $0xC;
	s29 =	sshll.u32 s13, $0x7  }
0x6b: {  	s17 =	sshll.u32 s12, $0x3;
	s16 =	sand.u32 $0x7F8000, s16;
	s13 =	sand.u32 $0x380, s29  }
0x6c: {  	s16 =	sadd.s32 s16, s17;
	s17 =	sand.u32 $0xC00, s17;
	s13 =	sor.u32 s13, s15  }
.Ltmp5:
0x6d: {  	s30 =	sand.u32 $0x7FF000, s16;
	s13 =	sor.u32 s17, s13;
	(pc) =	sbr.rel .LBB1_7-.Ltmp5, $4  }
0x6e: {  	s13 =	sor.u32 s30, s13  }
0x6f: {  	s13 =	sshrl.u32 s13, $0x3  }
0x70: {  	s31 =	sand.u32 $0x7, s12;
	s13 =	sadd.s32 s5, s13  }
0x71: {  	[hbm4b:s13+s31] =	stream.linear.scatter [tilespmem:s14], [sflag:$0x2], $0x4000, $0x38;
	[tilespmem:$0x10000] =	vst v63  }
.LBB1_8:
0x72: {  	_ =	sfence.sel $0x180000  }
0x73: {  	s2 =	simm.s32 $0x1;
	[bflag:$0x0] =	sbarrier.arrive $0xFFFF  }
0x74: {  	s31 =	simm.s32 $0x2;
	[sflag:s2] =	ssyncpa.u1 $0x1  }
0x75: {  	[sflag:s31] =	ssyncpa.u1 $0x1  }
0x76: {  	p0 =	sne.s32 s0, $0x0;
	_ =	strace $0x90000047  }
0x77: {  	s0 =	sadd.s32 @!p0 $0x100000, s1;
	[bflag:$0x2] =	sbarrier.arrive $0xFFFF  }
0x78: {  	[sflag:s0] =	ssyncadd.tile.s32 @!p0 $0x1;
	_ =	shalt  }
.Lfunc_end1:
_tile_overlayer_lowered:
.L_overlay_start_2:
0x79: {  	(tag) =	ssettag $0x2  }
0x7a: {  	s0 =	rddreg [dreg:$0x0];
	s2 =	stileid.u32  }
0x7b: {  	s1 =	rddreg [dreg:$0x1];
	p0 =	sne.s32 s2, $0x0  }
0x7c: {  	s3 =	rddreg [dreg:$0x2];
	[bflag:$0x3] =	sbarrier.arrive $0xFFFF;
	s2 =	simm.s32 @!p0 $0x1C01  }
0x7d: {  	[timem:s3], [sflag:s2] =	dma.local @!p0 [hbm:s0], s1  }
0x7e: {  	s0 =	simm.s32 @!p0 $0x1  }
0x7f: {  	_ =	swait.ge @!p0 [sflag:s0], s1  }
0x80: {  	s1 =	ssub.s32 @!p0 $0x0, s1;
	[sflag:s0] =	ssyncset.done @!p0 $0x0  }
0x81: {  	[sflag:s0] =	ssyncadd.s32 @!p0 s1  }
0x82: {  	[bflag:$0x3] =	sbarrier.arrive $0xFFFF  }
0x83: {  	_ =	shalt  }

</sc_bundles>
